<compile_context>
chip_gen: v7x
topology: tpu7x:2x2x1
jax: 0.10.2.dev20260603
libtpu: 0.0.44.dev20260713+nightly
codegen_flags: <defaults>
</compile_context>

<pallas_src>
import functools

import jax
import jax.numpy as jnp
from jax.experimental import pallas as pl

_F = 4
_NB = 1000


def _attn_topk_block(x_ref, wbd_ref, b2_ref, abdt_ref, o_ref):
    P, NB, DF = x_ref.shape
    F = abdt_ref.shape[0]
    D = DF // F
    x = x_ref[...]
    xf = x.reshape(P * NB, DF)
    KW = wbd_ref.shape[0]
    z = jnp.concatenate(
        [
            jnp.dot(xf[:, j * KW:(j + 1) * KW], wbd_ref[...],
                    preferred_element_type=jnp.float32)
            for j in range(DF // KW)
        ],
        axis=1,
    )
    h = jnp.tanh(z + b2_ref[...])
    h3 = h.reshape(P, NB, DF)
    abdt = abdt_ref[...]
    dims = (((1,), (1,)), ((), ()))
    lps = [
        jax.lax.dot_general(abdt, h3[p], dims,
                            preferred_element_type=jnp.float32)
        for p in range(P)
    ]
    l = jnp.stack(lps, axis=0)

    pidx = jax.lax.broadcasted_iota(jnp.int32, l.shape, 0)
    m1 = jnp.max(l, axis=0, keepdims=True)
    idx1 = jnp.min(jnp.where(l == m1, pidx, P), axis=0, keepdims=True)
    sel1 = pidx == idx1
    l2 = jnp.where(sel1, -1e30, l)
    m2 = jnp.max(l2, axis=0, keepdims=True)
    idx2 = jnp.min(jnp.where(l2 == m2, pidx, P), axis=0, keepdims=True)
    sel2 = pidx == idx2

    e = jnp.exp(l - m1)
    denom = jnp.sum(e, axis=0, keepdims=True)
    w = e / denom
    wsel = jnp.where(sel1 | sel2, w, jnp.float32(0.0))

    ridx = jax.lax.broadcasted_iota(jnp.int32, (F, DF), 0)
    lidx = jax.lax.broadcasted_iota(jnp.int32, (F, DF), 1)
    expand = jnp.where((lidx // D) == ridx, jnp.float32(1.0),
                       jnp.float32(0.0))
    acc = jnp.zeros((NB, DF), jnp.float32)
    for p in range(P):
        wsel_t = jnp.transpose(wsel[p])
        wx = jax.lax.dot_general(
            wsel_t, expand, (((1,), (0,)), ((), ())),
            preferred_element_type=jnp.float32,
        )
        acc = acc + wx * x[p]
    o_ref[...] = acc


@functools.partial(jax.jit, static_argnames=("interpret",))
def kernel(semantic_embeddings, attnVec, fc_w, fc_b, interpret=False):
    P, N, D = semantic_embeddings.shape
    F, NB = _F, _NB
    x2 = semantic_embeddings.reshape(P, N // F, F * D)
    a = attnVec.reshape(1, D)
    eyeF = jnp.eye(F, dtype=jnp.float32)
    wbd = jnp.kron(jnp.eye(2, dtype=jnp.float32), fc_w.T)
    b2 = jnp.tile(fc_b, F).reshape(1, F * D)
    abdt = jnp.kron(eyeF, a)

    grid = (N // F // NB,)
    out2 = pl.pallas_call(
        _attn_topk_block,
        grid=grid,
        in_specs=[
            pl.BlockSpec((P, NB, F * D), lambda i: (0, i, 0)),
            pl.BlockSpec((2 * D, 2 * D), lambda i: (0, 0)),
            pl.BlockSpec((1, F * D), lambda i: (0, 0)),
            pl.BlockSpec((F, F * D), lambda i: (0, 0)),
        ],
        out_specs=pl.BlockSpec((NB, F * D), lambda i: (i, 0)),
        out_shape=jax.ShapeDtypeStruct((N // F, F * D), jnp.float32),
        interpret=interpret,
    )(x2, wbd, b2, abdt)
    return out2.reshape(N, D)

# --- scband reference (transcript-rebuilt; emitter-appended) ---
"""Pipeline reference for scband-attn-vec-top-k-61546881351806 (READ-ONLY COPY).

The authoritative reference and input builder live on the scoring server;
editing this copy changes nothing except your own understanding.
"""

import jax, jax.numpy as jnp
import numpy as np

P, N, D = 8, 200000, 64
TOP_K = 2


def setup_inputs(seed: int = 0) -> dict:
    key = jax.random.key(seed)
    k1, k2, k3 = jax.random.split(key, 3)
    semantic_embeddings = jax.random.normal(k1, (P, N, D), dtype=jnp.float32)
    # learned parameters sized per init_kwargs
    attnVec = jax.random.uniform(k2, (1, D, 1), dtype=jnp.float32)
    bound = 1.0 / np.sqrt(D)
    fc_w = jax.random.uniform(k3, (D, D), minval=-bound, maxval=bound, dtype=jnp.float32)
    fc_b = jnp.zeros((D,), dtype=jnp.float32)
    return {"semantic_embeddings": semantic_embeddings, "attnVec": attnVec, "fc_w": fc_w, "fc_b": fc_b}


def reference(semantic_embeddings, attnVec, fc_w, fc_b):
    # torch.stack(list_of_P_tensors, dim=1) -> [N, P, D]
    x = jnp.transpose(semantic_embeddings, (1, 0, 2))  # [N, P, D]
    # fc: Linear(D, D) then tanh
    h = jnp.tanh(jnp.einsum('npd,ed->npe', x, fc_w) + fc_b)  # [N, P, D]
    # matmul with attnVec [1, D, 1] -> [N, P, 1]
    logits = jnp.matmul(h, attnVec)
    path_weight = jax.nn.softmax(logits, axis=1)  # [N, P, 1]
    # topk over path dim (sum below is order-invariant, so sorted is fine)
    vals, idx = jax.lax.top_k(path_weight[..., 0], TOP_K)  # [N, k]
    gathered = jnp.take_along_axis(x, idx[:, :, None], axis=1)  # [N, k, D]
    ques_embedding = jnp.sum(gathered * vals[:, :, None], axis=1)  # [N, D]
    return ques_embedding

if __name__ == "__main__":
    import jax
    _d = setup_inputs()
    print(jax.jit(kernel)(*tuple(_d.values())))

</pallas_src>

<mosaic_0001>
module attributes {stable_mosaic.version = 14 : i64} {
  func.func @_attn_topk_block(%arg0: i32, %arg1: memref<8x1000x256xf32, #tpu.memory_space<vmem>>, %arg2: memref<128x128xf32, #tpu.memory_space<vmem>>, %arg3: memref<1x256xf32, #tpu.memory_space<vmem>>, %arg4: memref<4x256xf32, #tpu.memory_space<vmem>>, %arg5: memref<1000x256xf32, #tpu.memory_space<vmem>>) attributes {dimension_semantics = [#tpu.dimension_semantics<arbitrary>], iteration_bounds = array<i64: 50>, scalar_prefetch = 0 : i64, scratch_operands = 0 : i64, tpu.core_type = #tpu.core_type<tc>, window_params = [{transform_indices = @transform_0, window_bounds = array<i64: 8, 1000, 256>}, {pipeline_mode = #tpu.pipeline_mode<synchronous>, transform_indices = @transform_1, window_bounds = array<i64: 128, 128>}, {pipeline_mode = #tpu.pipeline_mode<synchronous>, transform_indices = @transform_2, window_bounds = array<i64: 1, 256>}, {pipeline_mode = #tpu.pipeline_mode<synchronous>, transform_indices = @transform_3, window_bounds = array<i64: 4, 256>}, {transform_indices = @transform_4, window_bounds = array<i64: 1000, 256>}]} {
    %get3A = arith.constant 0 : index
    %get3A_0 = arith.constant 0 : index
    %get3A_1 = arith.constant 0 : index
    %get3A_2 = vector.load %arg1[%get3A, %get3A_0, %get3A_1] : memref<8x1000x256xf32, #tpu.memory_space<vmem>>, vector<8x1000x256xf32>
    %reshape3A = vector.shape_cast %get3A_2 : vector<8x1000x256xf32> to vector<8000x256xf32>
    %slice3A = vector.extract_strided_slice %reshape3A {offsets = [0, 0], sizes = [8000, 128], strides = [1, 1]} : vector<8000x256xf32> to vector<8000x128xf32>
    %get3A_3 = arith.constant 0 : index
    %get3A_4 = arith.constant 0 : index
    %get3A_5 = vector.load %arg2[%get3A_3, %get3A_4] : memref<128x128xf32, #tpu.memory_space<vmem>>, vector<128x128xf32>
    %dot_general3A = arith.constant dense<0.000000e+00> : vector<8000x128xf32>
    %dot_general3A_6 = tpu.matmul %slice3A, %get3A_5, %dot_general3A {dimension_numbers = #tpu.dot_dimension_numbers<[1], [0], [0], [1], [0, 0, 1, 1], [], []>, transpose_lhs_hint = false} : vector<8000x128xf32>, vector<128x128xf32>, vector<8000x128xf32> -> vector<8000x128xf32>
    %slice3A_7 = vector.extract_strided_slice %reshape3A {offsets = [0, 128], sizes = [8000, 128], strides = [1, 1]} : vector<8000x256xf32> to vector<8000x128xf32>
    %get3A_8 = arith.constant 0 : index
    %get3A_9 = arith.constant 0 : index
    %get3A_10 = vector.load %arg2[%get3A_8, %get3A_9] : memref<128x128xf32, #tpu.memory_space<vmem>>, vector<128x128xf32>
    %dot_general3A_11 = arith.constant dense<0.000000e+00> : vector<8000x128xf32>
    %dot_general3A_12 = tpu.matmul %slice3A_7, %get3A_10, %dot_general3A_11 {dimension_numbers = #tpu.dot_dimension_numbers<[1], [0], [0], [1], [0, 0, 1, 1], [], []>, transpose_lhs_hint = false} : vector<8000x128xf32>, vector<128x128xf32>, vector<8000x128xf32> -> vector<8000x128xf32>
    %concatenate3A = tpu.concatenate %dot_general3A_6, %dot_general3A_12 in 1 : vector<8000x128xf32>, vector<8000x128xf32> -> vector<8000x256xf32>
    %get3A_13 = arith.constant 0 : index
    %get3A_14 = arith.constant 0 : index
    %get3A_15 = vector.load %arg3[%get3A_13, %get3A_14] : memref<1x256xf32, #tpu.memory_space<vmem>>, vector<1x256xf32>
    %add3A = vector.broadcast %get3A_15 : vector<1x256xf32> to vector<8000x256xf32>
    %add3A_16 = arith.addf %concatenate3A, %add3A : vector<8000x256xf32>
    %tanh3A = math.tanh %add3A_16 : vector<8000x256xf32>
    %reshape3A_17 = vector.shape_cast %tanh3A : vector<8000x256xf32> to vector<8x1000x256xf32>
    %get3A_18 = arith.constant 0 : index
    %get3A_19 = arith.constant 0 : index
    %get3A_20 = vector.load %arg4[%get3A_18, %get3A_19] : memref<4x256xf32, #tpu.memory_space<vmem>>, vector<4x256xf32>
    %slice3A_21 = vector.extract_strided_slice %reshape3A_17 {offsets = [0, 0, 0], sizes = [1, 1000, 256], strides = [1, 1, 1]} : vector<8x1000x256xf32> to vector<1x1000x256xf32>
    %squeeze3A = vector.shape_cast %slice3A_21 : vector<1x1000x256xf32> to vector<1000x256xf32>
    %dot_general3A_22 = arith.constant dense<0.000000e+00> : vector<4x1000xf32>
    %dot_general3A_23 = tpu.matmul %get3A_20, %squeeze3A, %dot_general3A_22 {dimension_numbers = #tpu.dot_dimension_numbers<[1], [1], [0], [0], [0, 0, 1, 0], [], []>, transpose_lhs_hint = false} : vector<4x256xf32>, vector<1000x256xf32>, vector<4x1000xf32> -> vector<4x1000xf32>
    %slice3A_24 = vector.extract_strided_slice %reshape3A_17 {offsets = [1, 0, 0], sizes = [1, 1000, 256], strides = [1, 1, 1]} : vector<8x1000x256xf32> to vector<1x1000x256xf32>
    %squeeze3A_25 = vector.shape_cast %slice3A_24 : vector<1x1000x256xf32> to vector<1000x256xf32>
    %dot_general3A_26 = arith.constant dense<0.000000e+00> : vector<4x1000xf32>
    %dot_general3A_27 = tpu.matmul %get3A_20, %squeeze3A_25, %dot_general3A_26 {dimension_numbers = #tpu.dot_dimension_numbers<[1], [1], [0], [0], [0, 0, 1, 0], [], []>, transpose_lhs_hint = false} : vector<4x256xf32>, vector<1000x256xf32>, vector<4x1000xf32> -> vector<4x1000xf32>
    %slice3A_28 = vector.extract_strided_slice %reshape3A_17 {offsets = [2, 0, 0], sizes = [1, 1000, 256], strides = [1, 1, 1]} : vector<8x1000x256xf32> to vector<1x1000x256xf32>
    %squeeze3A_29 = vector.shape_cast %slice3A_28 : vector<1x1000x256xf32> to vector<1000x256xf32>
    %dot_general3A_30 = arith.constant dense<0.000000e+00> : vector<4x1000xf32>
    %dot_general3A_31 = tpu.matmul %get3A_20, %squeeze3A_29, %dot_general3A_30 {dimension_numbers = #tpu.dot_dimension_numbers<[1], [1], [0], [0], [0, 0, 1, 0], [], []>, transpose_lhs_hint = false} : vector<4x256xf32>, vector<1000x256xf32>, vector<4x1000xf32> -> vector<4x1000xf32>
    %slice3A_32 = vector.extract_strided_slice %reshape3A_17 {offsets = [3, 0, 0], sizes = [1, 1000, 256], strides = [1, 1, 1]} : vector<8x1000x256xf32> to vector<1x1000x256xf32>
    %squeeze3A_33 = vector.shape_cast %slice3A_32 : vector<1x1000x256xf32> to vector<1000x256xf32>
    %dot_general3A_34 = arith.constant dense<0.000000e+00> : vector<4x1000xf32>
    %dot_general3A_35 = tpu.matmul %get3A_20, %squeeze3A_33, %dot_general3A_34 {dimension_numbers = #tpu.dot_dimension_numbers<[1], [1], [0], [0], [0, 0, 1, 0], [], []>, transpose_lhs_hint = false} : vector<4x256xf32>, vector<1000x256xf32>, vector<4x1000xf32> -> vector<4x1000xf32>
    %slice3A_36 = vector.extract_strided_slice %reshape3A_17 {offsets = [4, 0, 0], sizes = [1, 1000, 256], strides = [1, 1, 1]} : vector<8x1000x256xf32> to vector<1x1000x256xf32>
    %squeeze3A_37 = vector.shape_cast %slice3A_36 : vector<1x1000x256xf32> to vector<1000x256xf32>
    %dot_general3A_38 = arith.constant dense<0.000000e+00> : vector<4x1000xf32>
    %dot_general3A_39 = tpu.matmul %get3A_20, %squeeze3A_37, %dot_general3A_38 {dimension_numbers = #tpu.dot_dimension_numbers<[1], [1], [0], [0], [0, 0, 1, 0], [], []>, transpose_lhs_hint = false} : vector<4x256xf32>, vector<1000x256xf32>, vector<4x1000xf32> -> vector<4x1000xf32>
    %slice3A_40 = vector.extract_strided_slice %reshape3A_17 {offsets = [5, 0, 0], sizes = [1, 1000, 256], strides = [1, 1, 1]} : vector<8x1000x256xf32> to vector<1x1000x256xf32>
    %squeeze3A_41 = vector.shape_cast %slice3A_40 : vector<1x1000x256xf32> to vector<1000x256xf32>
    %dot_general3A_42 = arith.constant dense<0.000000e+00> : vector<4x1000xf32>
    %dot_general3A_43 = tpu.matmul %get3A_20, %squeeze3A_41, %dot_general3A_42 {dimension_numbers = #tpu.dot_dimension_numbers<[1], [1], [0], [0], [0, 0, 1, 0], [], []>, transpose_lhs_hint = false} : vector<4x256xf32>, vector<1000x256xf32>, vector<4x1000xf32> -> vector<4x1000xf32>
    %slice3A_44 = vector.extract_strided_slice %reshape3A_17 {offsets = [6, 0, 0], sizes = [1, 1000, 256], strides = [1, 1, 1]} : vector<8x1000x256xf32> to vector<1x1000x256xf32>
    %squeeze3A_45 = vector.shape_cast %slice3A_44 : vector<1x1000x256xf32> to vector<1000x256xf32>
    %dot_general3A_46 = arith.constant dense<0.000000e+00> : vector<4x1000xf32>
    %dot_general3A_47 = tpu.matmul %get3A_20, %squeeze3A_45, %dot_general3A_46 {dimension_numbers = #tpu.dot_dimension_numbers<[1], [1], [0], [0], [0, 0, 1, 0], [], []>, transpose_lhs_hint = false} : vector<4x256xf32>, vector<1000x256xf32>, vector<4x1000xf32> -> vector<4x1000xf32>
    %slice3A_48 = vector.extract_strided_slice %reshape3A_17 {offsets = [7, 0, 0], sizes = [1, 1000, 256], strides = [1, 1, 1]} : vector<8x1000x256xf32> to vector<1x1000x256xf32>
    %squeeze3A_49 = vector.shape_cast %slice3A_48 : vector<1x1000x256xf32> to vector<1000x256xf32>
    %dot_general3A_50 = arith.constant dense<0.000000e+00> : vector<4x1000xf32>
    %dot_general3A_51 = tpu.matmul %get3A_20, %squeeze3A_49, %dot_general3A_50 {dimension_numbers = #tpu.dot_dimension_numbers<[1], [1], [0], [0], [0, 0, 1, 0], [], []>, transpose_lhs_hint = false} : vector<4x256xf32>, vector<1000x256xf32>, vector<4x1000xf32> -> vector<4x1000xf32>
    %stack3A = vector.shape_cast %dot_general3A_23 : vector<4x1000xf32> to vector<1x4x1000xf32>
    %stack3A_52 = vector.shape_cast %dot_general3A_27 : vector<4x1000xf32> to vector<1x4x1000xf32>
    %stack3A_53 = vector.shape_cast %dot_general3A_31 : vector<4x1000xf32> to vector<1x4x1000xf32>
    %stack3A_54 = vector.shape_cast %dot_general3A_35 : vector<4x1000xf32> to vector<1x4x1000xf32>
    %stack3A_55 = vector.shape_cast %dot_general3A_39 : vector<4x1000xf32> to vector<1x4x1000xf32>
    %stack3A_56 = vector.shape_cast %dot_general3A_43 : vector<4x1000xf32> to vector<1x4x1000xf32>
    %stack3A_57 = vector.shape_cast %dot_general3A_47 : vector<4x1000xf32> to vector<1x4x1000xf32>
    %stack3A_58 = vector.shape_cast %dot_general3A_51 : vector<4x1000xf32> to vector<1x4x1000xf32>
    %stack3A_59 = tpu.concatenate %stack3A, %stack3A_52, %stack3A_53, %stack3A_54, %stack3A_55, %stack3A_56, %stack3A_57, %stack3A_58 in 0 : vector<1x4x1000xf32>, vector<1x4x1000xf32>, vector<1x4x1000xf32>, vector<1x4x1000xf32>, vector<1x4x1000xf32>, vector<1x4x1000xf32>, vector<1x4x1000xf32>, vector<1x4x1000xf32> -> vector<8x4x1000xf32>
    %iota3A = tpu.iota {dimensions = array<i32: 0>} : vector<8x4x1000xi32>
    %reduce_max3A = arith.constant dense<0xFF800000> : vector<4x1000xf32>
    %reduce_max3A_60 = vector.multi_reduction <maximumf>, %stack3A_59, %reduce_max3A [0] : vector<8x4x1000xf32> to vector<4x1000xf32>
    %broadcast_in_dim3A = vector.shape_cast %reduce_max3A_60 : vector<4x1000xf32> to vector<1x4x1000xf32>
    %eq3A = vector.broadcast %broadcast_in_dim3A : vector<1x4x1000xf32> to vector<8x4x1000xf32>
    %eq3A_61 = arith.cmpf oeq, %stack3A_59, %eq3A : vector<8x4x1000xf32>
    %jit3A = arith.constant 8 : i32
    %broadcast_in_dim3A_62 = vector.broadcast %jit3A : i32 to vector<8x4x1000xi32>
    %select_n3A = arith.select %eq3A_61, %iota3A, %broadcast_in_dim3A_62 : vector<8x4x1000xi1>, vector<8x4x1000xi32>
    %reduce_min3A = arith.constant dense<2147483647> : vector<4x1000xi32>
    %reduce_min3A_63 = vector.multi_reduction <minsi>, %select_n3A, %reduce_min3A [0] : vector<8x4x1000xi32> to vector<4x1000xi32>
    %broadcast_in_dim3A_64 = vector.shape_cast %reduce_min3A_63 : vector<4x1000xi32> to vector<1x4x1000xi32>
    %eq3A_65 = vector.broadcast %broadcast_in_dim3A_64 : vector<1x4x1000xi32> to vector<8x4x1000xi32>
    %eq3A_66 = arith.cmpi eq, %iota3A, %eq3A_65 : vector<8x4x1000xi32>
    %jit3A_67 = arith.constant -1.000000e+30 : f32
    %broadcast_in_dim3A_68 = vector.broadcast %jit3A_67 : f32 to vector<8x4x1000xf32>
    %select_n3A_69 = arith.select %eq3A_66, %broadcast_in_dim3A_68, %stack3A_59 : vector<8x4x1000xi1>, vector<8x4x1000xf32>
    %reduce_max3A_70 = arith.constant dense<0xFF800000> : vector<4x1000xf32>
    %reduce_max3A_71 = vector.multi_reduction <maximumf>, %select_n3A_69, %reduce_max3A_70 [0] : vector<8x4x1000xf32> to vector<4x1000xf32>
    %broadcast_in_dim3A_72 = vector.shape_cast %reduce_max3A_71 : vector<4x1000xf32> to vector<1x4x1000xf32>
    %eq3A_73 = vector.broadcast %broadcast_in_dim3A_72 : vector<1x4x1000xf32> to vector<8x4x1000xf32>
    %eq3A_74 = arith.cmpf oeq, %select_n3A_69, %eq3A_73 : vector<8x4x1000xf32>
    %jit3A_75 = arith.constant 8 : i32
    %broadcast_in_dim3A_76 = vector.broadcast %jit3A_75 : i32 to vector<8x4x1000xi32>
    %select_n3A_77 = arith.select %eq3A_74, %iota3A, %broadcast_in_dim3A_76 : vector<8x4x1000xi1>, vector<8x4x1000xi32>
    %reduce_min3A_78 = arith.constant dense<2147483647> : vector<4x1000xi32>
    %reduce_min3A_79 = vector.multi_reduction <minsi>, %select_n3A_77, %reduce_min3A_78 [0] : vector<8x4x1000xi32> to vector<4x1000xi32>
    %broadcast_in_dim3A_80 = vector.shape_cast %reduce_min3A_79 : vector<4x1000xi32> to vector<1x4x1000xi32>
    %eq3A_81 = vector.broadcast %broadcast_in_dim3A_80 : vector<1x4x1000xi32> to vector<8x4x1000xi32>
    %eq3A_82 = arith.cmpi eq, %iota3A, %eq3A_81 : vector<8x4x1000xi32>
    %sub3A = vector.broadcast %broadcast_in_dim3A : vector<1x4x1000xf32> to vector<8x4x1000xf32>
    %sub3A_83 = arith.subf %stack3A_59, %sub3A : vector<8x4x1000xf32>
    %exp3A = math.exp %sub3A_83 : vector<8x4x1000xf32>
    %reduce_sum3A = arith.constant dense<0.000000e+00> : vector<4x1000xf32>
    %reduce_sum3A_84 = vector.multi_reduction <add>, %exp3A, %reduce_sum3A [0] : vector<8x4x1000xf32> to vector<4x1000xf32>
    %broadcast_in_dim3A_85 = vector.shape_cast %reduce_sum3A_84 : vector<4x1000xf32> to vector<1x4x1000xf32>
    %div3A = vector.broadcast %broadcast_in_dim3A_85 : vector<1x4x1000xf32> to vector<8x4x1000xf32>
    %div3A_86 = arith.divf %exp3A, %div3A : vector<8x4x1000xf32>
    %or3A = arith.ori %eq3A_66, %eq3A_82 : vector<8x4x1000xi1>
    %jit3A_87 = arith.constant 0.000000e+00 : f32
    %broadcast_in_dim3A_88 = vector.broadcast %jit3A_87 : f32 to vector<8x4x1000xf32>
    %select_n3A_89 = arith.select %or3A, %div3A_86, %broadcast_in_dim3A_88 : vector<8x4x1000xi1>, vector<8x4x1000xf32>
    %iota3A_90 = tpu.iota {dimensions = array<i32: 0>} : vector<4x256xi32>
    %iota3A_91 = tpu.iota {dimensions = array<i32: 1>} : vector<4x256xi32>
    %jit3A_92 = arith.constant 64 : i32
    %div3A_93 = vector.broadcast %jit3A_92 : i32 to vector<4x256xi32>
    %div3A_94 = arith.divsi %iota3A_91, %div3A_93 : vector<4x256xi32>
    %sign3A = arith.constant 0 : i32
    %sign3A_95 = vector.broadcast %sign3A : i32 to vector<4x256xi32>
    %sign3A_96 = arith.cmpi sgt, %iota3A_91, %sign3A_95 : vector<4x256xi32>
    %sign3A_97 = arith.extui %sign3A_96 : vector<4x256xi1> to vector<4x256xi32>
    %sign3A_98 = arith.constant 0 : i32
    %sign3A_99 = vector.broadcast %sign3A_98 : i32 to vector<4x256xi32>
    %sign3A_100 = arith.cmpi slt, %iota3A_91, %sign3A_99 : vector<4x256xi32>
    %sign3A_101 = arith.extui %sign3A_100 : vector<4x256xi1> to vector<4x256xi32>
    %sign3A_102 = arith.subi %sign3A_97, %sign3A_101 : vector<4x256xi32>
    %sign3A_103 = arith.constant 0 : i32
    %sign3A_104 = arith.cmpi sgt, %jit3A_92, %sign3A_103 : i32
    %sign3A_105 = arith.extui %sign3A_104 : i1 to i32
    %sign3A_106 = arith.constant 0 : i32
    %sign3A_107 = arith.cmpi slt, %jit3A_92, %sign3A_106 : i32
    %sign3A_108 = arith.extui %sign3A_107 : i1 to i32
    %sign3A_109 = arith.subi %sign3A_105, %sign3A_108 : i32
    %ne3A = vector.broadcast %sign3A_109 : i32 to vector<4x256xi32>
    %ne3A_110 = arith.cmpi ne, %sign3A_102, %ne3A : vector<4x256xi32>
    %rem3A = vector.broadcast %jit3A_92 : i32 to vector<4x256xi32>
    %rem3A_111 = arith.remsi %iota3A_91, %rem3A : vector<4x256xi32>
    %ne3A_112 = arith.constant 0 : i32
    %ne3A_113 = vector.broadcast %ne3A_112 : i32 to vector<4x256xi32>
    %ne3A_114 = arith.cmpi ne, %rem3A_111, %ne3A_113 : vector<4x256xi32>
    %and3A = arith.andi %ne3A_110, %ne3A_114 : vector<4x256xi1>
    %sub3A_115 = arith.constant 1 : i32
    %sub3A_116 = vector.broadcast %sub3A_115 : i32 to vector<4x256xi32>
    %sub3A_117 = arith.subi %div3A_94, %sub3A_116 : vector<4x256xi32>
    %select_n3A_118 = arith.select %and3A, %sub3A_117, %div3A_94 : vector<4x256xi1>, vector<4x256xi32>
    %eq3A_119 = arith.cmpi eq, %select_n3A_118, %iota3A_90 : vector<4x256xi32>
    %jit3A_120 = arith.constant 1.000000e+00 : f32
    %jit3A_121 = arith.constant 0.000000e+00 : f32
    %broadcast_in_dim3A_122 = vector.broadcast %jit3A_120 : f32 to vector<4x256xf32>
    %broadcast_in_dim3A_123 = vector.broadcast %jit3A_121 : f32 to vector<4x256xf32>
    %select_n3A_124 = arith.select %eq3A_119, %broadcast_in_dim3A_122, %broadcast_in_dim3A_123 : vector<4x256xi1>, vector<4x256xf32>
    %broadcast_in_dim3A_125 = arith.constant 0.000000e+00 : f32
    %broadcast_in_dim3A_126 = vector.broadcast %broadcast_in_dim3A_125 : f32 to vector<1000x256xf32>
    %slice3A_127 = vector.extract_strided_slice %select_n3A_89 {offsets = [0, 0, 0], sizes = [1, 4, 1000], strides = [1, 1, 1]} : vector<8x4x1000xf32> to vector<1x4x1000xf32>
    %squeeze3A_128 = vector.shape_cast %slice3A_127 : vector<1x4x1000xf32> to vector<4x1000xf32>
    %transpose3A = tpu.transpose %squeeze3A_128, [1, 0] : vector<4x1000xf32> -> vector<1000x4xf32>
    %dot_general3A_129 = arith.constant dense<0.000000e+00> : vector<1000x256xf32>
    %dot_general3A_130 = tpu.matmul %transpose3A, %select_n3A_124, %dot_general3A_129 {dimension_numbers = #tpu.dot_dimension_numbers<[1], [0], [0], [1], [0, 0, 1, 1], [], []>, transpose_lhs_hint = false} : vector<1000x4xf32>, vector<4x256xf32>, vector<1000x256xf32> -> vector<1000x256xf32>
    %slice3A_131 = vector.extract_strided_slice %get3A_2 {offsets = [0, 0, 0], sizes = [1, 1000, 256], strides = [1, 1, 1]} : vector<8x1000x256xf32> to vector<1x1000x256xf32>
    %squeeze3A_132 = vector.shape_cast %slice3A_131 : vector<1x1000x256xf32> to vector<1000x256xf32>
    %mul3A = arith.mulf %dot_general3A_130, %squeeze3A_132 : vector<1000x256xf32>
    %add3A_133 = arith.addf %broadcast_in_dim3A_126, %mul3A : vector<1000x256xf32>
    %slice3A_134 = vector.extract_strided_slice %select_n3A_89 {offsets = [1, 0, 0], sizes = [1, 4, 1000], strides = [1, 1, 1]} : vector<8x4x1000xf32> to vector<1x4x1000xf32>
    %squeeze3A_135 = vector.shape_cast %slice3A_134 : vector<1x4x1000xf32> to vector<4x1000xf32>
    %transpose3A_136 = tpu.transpose %squeeze3A_135, [1, 0] : vector<4x1000xf32> -> vector<1000x4xf32>
    %dot_general3A_137 = arith.constant dense<0.000000e+00> : vector<1000x256xf32>
    %dot_general3A_138 = tpu.matmul %transpose3A_136, %select_n3A_124, %dot_general3A_137 {dimension_numbers = #tpu.dot_dimension_numbers<[1], [0], [0], [1], [0, 0, 1, 1], [], []>, transpose_lhs_hint = false} : vector<1000x4xf32>, vector<4x256xf32>, vector<1000x256xf32> -> vector<1000x256xf32>
    %slice3A_139 = vector.extract_strided_slice %get3A_2 {offsets = [1, 0, 0], sizes = [1, 1000, 256], strides = [1, 1, 1]} : vector<8x1000x256xf32> to vector<1x1000x256xf32>
    %squeeze3A_140 = vector.shape_cast %slice3A_139 : vector<1x1000x256xf32> to vector<1000x256xf32>
    %mul3A_141 = arith.mulf %dot_general3A_138, %squeeze3A_140 : vector<1000x256xf32>
    %add3A_142 = arith.addf %add3A_133, %mul3A_141 : vector<1000x256xf32>
    %slice3A_143 = vector.extract_strided_slice %select_n3A_89 {offsets = [2, 0, 0], sizes = [1, 4, 1000], strides = [1, 1, 1]} : vector<8x4x1000xf32> to vector<1x4x1000xf32>
    %squeeze3A_144 = vector.shape_cast %slice3A_143 : vector<1x4x1000xf32> to vector<4x1000xf32>
    %transpose3A_145 = tpu.transpose %squeeze3A_144, [1, 0] : vector<4x1000xf32> -> vector<1000x4xf32>
    %dot_general3A_146 = arith.constant dense<0.000000e+00> : vector<1000x256xf32>
    %dot_general3A_147 = tpu.matmul %transpose3A_145, %select_n3A_124, %dot_general3A_146 {dimension_numbers = #tpu.dot_dimension_numbers<[1], [0], [0], [1], [0, 0, 1, 1], [], []>, transpose_lhs_hint = false} : vector<1000x4xf32>, vector<4x256xf32>, vector<1000x256xf32> -> vector<1000x256xf32>
    %slice3A_148 = vector.extract_strided_slice %get3A_2 {offsets = [2, 0, 0], sizes = [1, 1000, 256], strides = [1, 1, 1]} : vector<8x1000x256xf32> to vector<1x1000x256xf32>
    %squeeze3A_149 = vector.shape_cast %slice3A_148 : vector<1x1000x256xf32> to vector<1000x256xf32>
    %mul3A_150 = arith.mulf %dot_general3A_147, %squeeze3A_149 : vector<1000x256xf32>
    %add3A_151 = arith.addf %add3A_142, %mul3A_150 : vector<1000x256xf32>
    %slice3A_152 = vector.extract_strided_slice %select_n3A_89 {offsets = [3, 0, 0], sizes = [1, 4, 1000], strides = [1, 1, 1]} : vector<8x4x1000xf32> to vector<1x4x1000xf32>
    %squeeze3A_153 = vector.shape_cast %slice3A_152 : vector<1x4x1000xf32> to vector<4x1000xf32>
    %transpose3A_154 = tpu.transpose %squeeze3A_153, [1, 0] : vector<4x1000xf32> -> vector<1000x4xf32>
    %dot_general3A_155 = arith.constant dense<0.000000e+00> : vector<1000x256xf32>
    %dot_general3A_156 = tpu.matmul %transpose3A_154, %select_n3A_124, %dot_general3A_155 {dimension_numbers = #tpu.dot_dimension_numbers<[1], [0], [0], [1], [0, 0, 1, 1], [], []>, transpose_lhs_hint = false} : vector<1000x4xf32>, vector<4x256xf32>, vector<1000x256xf32> -> vector<1000x256xf32>
    %slice3A_157 = vector.extract_strided_slice %get3A_2 {offsets = [3, 0, 0], sizes = [1, 1000, 256], strides = [1, 1, 1]} : vector<8x1000x256xf32> to vector<1x1000x256xf32>
    %squeeze3A_158 = vector.shape_cast %slice3A_157 : vector<1x1000x256xf32> to vector<1000x256xf32>
    %mul3A_159 = arith.mulf %dot_general3A_156, %squeeze3A_158 : vector<1000x256xf32>
    %add3A_160 = arith.addf %add3A_151, %mul3A_159 : vector<1000x256xf32>
    %slice3A_161 = vector.extract_strided_slice %select_n3A_89 {offsets = [4, 0, 0], sizes = [1, 4, 1000], strides = [1, 1, 1]} : vector<8x4x1000xf32> to vector<1x4x1000xf32>
    %squeeze3A_162 = vector.shape_cast %slice3A_161 : vector<1x4x1000xf32> to vector<4x1000xf32>
    %transpose3A_163 = tpu.transpose %squeeze3A_162, [1, 0] : vector<4x1000xf32> -> vector<1000x4xf32>
    %dot_general3A_164 = arith.constant dense<0.000000e+00> : vector<1000x256xf32>
    %dot_general3A_165 = tpu.matmul %transpose3A_163, %select_n3A_124, %dot_general3A_164 {dimension_numbers = #tpu.dot_dimension_numbers<[1], [0], [0], [1], [0, 0, 1, 1], [], []>, transpose_lhs_hint = false} : vector<1000x4xf32>, vector<4x256xf32>, vector<1000x256xf32> -> vector<1000x256xf32>
    %slice3A_166 = vector.extract_strided_slice %get3A_2 {offsets = [4, 0, 0], sizes = [1, 1000, 256], strides = [1, 1, 1]} : vector<8x1000x256xf32> to vector<1x1000x256xf32>
    %squeeze3A_167 = vector.shape_cast %slice3A_166 : vector<1x1000x256xf32> to vector<1000x256xf32>
    %mul3A_168 = arith.mulf %dot_general3A_165, %squeeze3A_167 : vector<1000x256xf32>
    %add3A_169 = arith.addf %add3A_160, %mul3A_168 : vector<1000x256xf32>
    %slice3A_170 = vector.extract_strided_slice %select_n3A_89 {offsets = [5, 0, 0], sizes = [1, 4, 1000], strides = [1, 1, 1]} : vector<8x4x1000xf32> to vector<1x4x1000xf32>
    %squeeze3A_171 = vector.shape_cast %slice3A_170 : vector<1x4x1000xf32> to vector<4x1000xf32>
    %transpose3A_172 = tpu.transpose %squeeze3A_171, [1, 0] : vector<4x1000xf32> -> vector<1000x4xf32>
    %dot_general3A_173 = arith.constant dense<0.000000e+00> : vector<1000x256xf32>
    %dot_general3A_174 = tpu.matmul %transpose3A_172, %select_n3A_124, %dot_general3A_173 {dimension_numbers = #tpu.dot_dimension_numbers<[1], [0], [0], [1], [0, 0, 1, 1], [], []>, transpose_lhs_hint = false} : vector<1000x4xf32>, vector<4x256xf32>, vector<1000x256xf32> -> vector<1000x256xf32>
    %slice3A_175 = vector.extract_strided_slice %get3A_2 {offsets = [5, 0, 0], sizes = [1, 1000, 256], strides = [1, 1, 1]} : vector<8x1000x256xf32> to vector<1x1000x256xf32>
    %squeeze3A_176 = vector.shape_cast %slice3A_175 : vector<1x1000x256xf32> to vector<1000x256xf32>
    %mul3A_177 = arith.mulf %dot_general3A_174, %squeeze3A_176 : vector<1000x256xf32>
    %add3A_178 = arith.addf %add3A_169, %mul3A_177 : vector<1000x256xf32>
    %slice3A_179 = vector.extract_strided_slice %select_n3A_89 {offsets = [6, 0, 0], sizes = [1, 4, 1000], strides = [1, 1, 1]} : vector<8x4x1000xf32> to vector<1x4x1000xf32>
    %squeeze3A_180 = vector.shape_cast %slice3A_179 : vector<1x4x1000xf32> to vector<4x1000xf32>
    %transpose3A_181 = tpu.transpose %squeeze3A_180, [1, 0] : vector<4x1000xf32> -> vector<1000x4xf32>
    %dot_general3A_182 = arith.constant dense<0.000000e+00> : vector<1000x256xf32>
    %dot_general3A_183 = tpu.matmul %transpose3A_181, %select_n3A_124, %dot_general3A_182 {dimension_numbers = #tpu.dot_dimension_numbers<[1], [0], [0], [1], [0, 0, 1, 1], [], []>, transpose_lhs_hint = false} : vector<1000x4xf32>, vector<4x256xf32>, vector<1000x256xf32> -> vector<1000x256xf32>
    %slice3A_184 = vector.extract_strided_slice %get3A_2 {offsets = [6, 0, 0], sizes = [1, 1000, 256], strides = [1, 1, 1]} : vector<8x1000x256xf32> to vector<1x1000x256xf32>
    %squeeze3A_185 = vector.shape_cast %slice3A_184 : vector<1x1000x256xf32> to vector<1000x256xf32>
    %mul3A_186 = arith.mulf %dot_general3A_183, %squeeze3A_185 : vector<1000x256xf32>
    %add3A_187 = arith.addf %add3A_178, %mul3A_186 : vector<1000x256xf32>
    %slice3A_188 = vector.extract_strided_slice %select_n3A_89 {offsets = [7, 0, 0], sizes = [1, 4, 1000], strides = [1, 1, 1]} : vector<8x4x1000xf32> to vector<1x4x1000xf32>
    %squeeze3A_189 = vector.shape_cast %slice3A_188 : vector<1x4x1000xf32> to vector<4x1000xf32>
    %transpose3A_190 = tpu.transpose %squeeze3A_189, [1, 0] : vector<4x1000xf32> -> vector<1000x4xf32>
    %dot_general3A_191 = arith.constant dense<0.000000e+00> : vector<1000x256xf32>
    %dot_general3A_192 = tpu.matmul %transpose3A_190, %select_n3A_124, %dot_general3A_191 {dimension_numbers = #tpu.dot_dimension_numbers<[1], [0], [0], [1], [0, 0, 1, 1], [], []>, transpose_lhs_hint = false} : vector<1000x4xf32>, vector<4x256xf32>, vector<1000x256xf32> -> vector<1000x256xf32>
    %slice3A_193 = vector.extract_strided_slice %get3A_2 {offsets = [7, 0, 0], sizes = [1, 1000, 256], strides = [1, 1, 1]} : vector<8x1000x256xf32> to vector<1x1000x256xf32>
    %squeeze3A_194 = vector.shape_cast %slice3A_193 : vector<1x1000x256xf32> to vector<1000x256xf32>
    %mul3A_195 = arith.mulf %dot_general3A_192, %squeeze3A_194 : vector<1000x256xf32>
    %add3A_196 = arith.addf %add3A_187, %mul3A_195 : vector<1000x256xf32>
    %swap3A = arith.constant 0 : index
    %swap3A_197 = arith.constant 0 : index
    %swap3A_198 = vector.load %arg5[%swap3A, %swap3A_197] : memref<1000x256xf32, #tpu.memory_space<vmem>>, vector<1000x256xf32>
    tpu.vector_store %arg5[%swap3A, %swap3A_197], %add3A_196 {strides = array<i32>} : memref<1000x256xf32, #tpu.memory_space<vmem>>, vector<1000x256xf32>,
    return
  }
  func.func @transform_0(%arg0: i32) -> (i32, i32, i32) {
    %c0_i32 = arith.constant 0 : i32
    %c0_i32_0 = arith.constant 0 : i32
    %c0_i32_1 = arith.constant 0 : i32
    return %c0_i32, %arg0, %c0_i32_0 : i32, i32, i32
  }
  func.func @transform_1(%arg0: i32) -> (i32, i32) {
    %c0_i32 = arith.constant 0 : i32
    %c0_i32_0 = arith.constant 0 : i32
    %c0_i32_1 = arith.constant 0 : i32
    return %c0_i32, %c0_i32_0 : i32, i32
  }
  func.func @transform_2(%arg0: i32) -> (i32, i32) {
    %c0_i32 = arith.constant 0 : i32
    %c0_i32_0 = arith.constant 0 : i32
    %c0_i32_1 = arith.constant 0 : i32
    return %c0_i32, %c0_i32_0 : i32, i32
  }
  func.func @transform_3(%arg0: i32) -> (i32, i32) {
    %c0_i32 = arith.constant 0 : i32
    %c0_i32_0 = arith.constant 0 : i32
    %c0_i32_1 = arith.constant 0 : i32
    return %c0_i32, %c0_i32_0 : i32, i32
  }
  func.func @transform_4(%arg0: i32) -> (i32, i32) {
    %c0_i32 = arith.constant 0 : i32
    %c0_i32_0 = arith.constant 0 : i32
    return %arg0, %c0_i32 : i32, i32
  }
}

</mosaic_0001>

<sc_bundles>
// kernel: sparse-core-data-format-call.cloned.1.call-start
scs
called_computation_lowered:
.L_overlay_start_0:
0x0: {  	s2 =	sld [smem:$0x3FD9]  }
0x1: {  	s3 =	sld [smem:$0x3FFE];
	_ =	sdelay $0x1  }
0x2: {  	s1 =	srdreg.scid  }
0x3: {  	s0 =	sand.u32 $0x1, s1  }
0x4: {  	s18 =	sshll.u32 s0, $0xA;
	s2 =	sadd.s32 s3, s2  }
0x5: {  	s2 =	sadd.s32 s2, s18  }
0x6: {  	[smem:$0x3FC4] =	sst s2  }
0x7: {  	_ = 	snop  }
0x8: {  	s2 =	sld [smem:$0x3FD0];
	(tm) =	ssettm $0x1  }
0x9: {  	s19 =	sld [smem:$0x3FFB];
	_ =	sdelay $0x3  }
0xa: {  	_ =	strace s19  }
0xb: {  	s3 =	sld [smem:$0x3FFC];
	_ =	sdelay $0x3  }
0xc: {  	_ =	strace s3  }
0xd: {  	s3 =	sld [smem:$0x3FFD];
	_ =	sdelay $0x3  }
0xe: {  	_ =	strace s3  }
0xf: {  	_ =	strace $0x8FFFFFFF  }
0x10: {  	s20 =	sld [smem:$0x3FDB];
	_ =	sdelay $0x1  }
0x11: {  	s4 =	simm.s32 $_scs_section_size  }
0x12: {  	s5 =	simm.s32 $_size__tile_overlayer_lowered;
	s6 =	simm.s32 $_tile_overlayer_lowered  }
0x13: {  	s23 =	simm.s32 $0x1BFF;
	s22 =	sshll.u32 s6, $0x1;
	s3 =	sadd.s32 s4, s20  }
0x14: {  	s7 =	simm.s32 $0x0;
	s21 =	sshll.u32 s5, $0x1;
	s5 =	sadd.s32 s22, s3  }
0x15: {  	[timem:s7], [sflag:s23] =	dma.local [hbm:s5], s21  }
0x16: {  	_ =	swait.ge [sflag:s23], s21  }
0x17: {  	s4 =	ssub.s32 $0x0, s21;
	[sflag:s23] =	ssyncset.done $0x0  }
0x18: {  	[sflag:s23] =	ssyncadd.s32 s4;
	_ =	sdelay $0x1  }
0x19: {  	s24 =	simm.s32 $0x1B8B  }
0x1a: {  	_ =	swait.ge [sflag:s24], $0x1  }
0x1b: {  	[sflag:s24] =	ssyncset.done $0x0  }
0x1c: {  	s26 =	simm.s32 $0x1B8E;
	s25 =	sld [smem:$0x3FFE];
	[sflag:s24] =	ssyncadd.s32 $0xFFFFFFFF  }
0x1d: {  	s27 =	simm.s32 $execute0_lowered;
	[smem:$0x3FD2] =	sst s26  }
0x1e: {  	s5 =	sshll.u32 s27, $0x1;
	_ =	strace $0x80000046;
	[dreg:$0x1] =	wrdreg $0xFFFFFFFF  }
0x1f: {  	s28 =	simm.s32 $_size_execute0_lowered;
	s3 =	sadd.s32 s3, s5;
	[dreg:$0x0] =	wrdreg $0x0  }
0x20: {  	s5 =	sshll.u32 s28, $0x1;
	[dreg:$0x2] =	wrdreg s3  }
0x21: {  	[dreg:$0x3] =	wrdreg s5  }
0x22: {  	[dreg:$0x4] =	wrdreg $0xC0  }
0x23: {  	_ =	task [dreg:s7], $0x5FFFF  }
0x24: {  	[dreg:$0x1] =	wrdreg $0xFFFFFFFF  }
0x25: {  	[dreg:$0x0] =	wrdreg $0x60  }
0x26: {  	[dreg:$0x2] =	wrdreg s25  }
0x27: {  	[dreg:$0x3] =	wrdreg s2  }
0x28: {  	[dreg:$0x4] =	wrdreg $0x9  }
0x29: {  	_ =	task.clear_ibuf [dreg:s7], $0x5FFFF;
	_ =	strace $0x90000046  }
0x2a: {  	s29 =	simm.s32 $0x9;
	_ =	strace $0x80000048  }
0x2b: {  	_ =	swait.ge [sflag:s29], $0x1  }
0x2c: {  	[sflag:s29] =	ssyncadd.s32 $0xFFFFFFFF  }
0x2d: {  	_ =	strace $0x90000048  }
0x2e: {  	_ =	sfence  }
0x2f: {  	s30 =	sld [smem:$0x0];
	_ =	sdelay $0x2  }
0x30: {  	s31 =	sshll.u32 s1, $0xD;
	s1 =	sshrl.u32 s1, $0x2  }
0x31: {  	s3 =	sand.u32 $0x4000, s31;
	s1 =	sadd.s32 s1, s30  }
0x32: {  	s0 =	sor.u32 s3, s0;
	s1 =	sshll.u32 s1, $0x11  }
0x33: {  	s0 =	sor.u32 s1, s0  }
0x34: {  	s0 =	sadd.s32 $0x8F2B, s0  }
0x35: {  	[sflag:s0] =	ssyncadd.remote.s32 $0x1  }
0x36: {  	_ =	sfence.sel $0xFFFF  }
0x37: {  	[dreg:$0x0] =	wrdreg $0xFFFFFFFF;
	(pc) =	sbr.abs _section_cstart, $3  }
0x38: {  	[dreg:$0x1] =	wrdreg $0xFFFFFFFF  }
0x39: {  	_ =	task.clear_ibuf [dreg:s7], $0x2FFFF;
	_ =	strace $0x9FFFFFFF  }
0x3a: {  	(tm) =	ssettm $0x7FFFFFFF  }
0x3b: {  	_ =	shalt  }
tec
execute0_lowered:
.L_overlay_start_1:
0x0: {  	(tag) =	ssettag $0x1  }
0x1: {  	s4 =	rddreg [dreg:$0x0]  }
0x2: {  	s0 =	srdreg.scid;
	s2 =	rddreg [dreg:$0x1]  }
0x3: {  	s1 =	stileid.u32;
	s5 =	simm.s32 $0x1;
	s0 =	sshll.u32 s0, $0x4  }
0x4: {  	s7 =	simm.s32 $0x2;
	s11 =	simm.s32 $0x0;
	s3 =	sand.u32 $0x10, s0  }
.Ltmp0:
0x5: {  	p0 =	por $0x0, $0x0;
	s3 =	sor.u32 s1, s3;
	(pc) =	sbr.rel .LBB1_1-.Ltmp0, $4  }
0x6: {  	s8 =	simm.s32 $0x186C00;
	s10 =	simm.s32 $0x0;
	s3 =	sshll.u32 s3, $0x7  }
0x7: {  	s0 =	rddreg [dreg:$0x2];
	_ =	strace $0x80000047;
	s6 =	ssub.s32 $0x30D00, s3  }
0x8: {  	s4 =	sadd.s32 $0xE00, s4;
	[sflag:s5] =	ssyncpa.u1 $0x0;
	s6 =	sshrl.u32 s6, $0xC  }
0x9: {  	[sflag:s7] =	ssyncpa.u1 $0x0;
	s9 =	smov.u32 s3;
	s7 =	sadd.s32 $0x2, s6  }
.LBB1_5:
0xa: {  	s13 =	sadd.s32 $0x1000, s9  }
0xb: {  	p2 =	sgt.s32 s13, $0x30D3F  }
0xc: {  	s13 =	smov.u32 @p2 s3;
	p2 =	sne.s32 s10, s7  }
.Ltmp1:
0xd: {  	p1 =	slt.u32 s10, $0x2;
	(pc) =	sbr.rel @!p2 .LBB1_6-.Ltmp1, $4  }
0xe: {  	s12 =	simm.s32 @!p1 $0x2  }
0xf: {  	s14 =	sadd.s32 $0x1, s10;
	_ =	swait.ge @!p1 [sflag:s12], $0x2000  }
0x10: {  	s11 =	smov.u32 s9;
	p0 =	por !p0, !p0;
	[sflag:s12] =	ssyncset.done @!p1 $0x0  }
0x11: {  	s10 =	smov.u32 s14;
	s9 =	smov.u32 s13;
	[sflag:s12] =	ssyncadd.s32 @!p1 $0xFFFFE000  }
.LBB1_1:
0x12: {  	p1 =	sgt.u32 s10, s6  }
0x13: {  	s13 =	smov.u32 s9;
	p2 =	sgt.s32 @!p1 s9, $0x30CC0  }
0x14: {  	s12 =	sand.u32 @!p1 $0x1FFFFFF, s9;
	s14 =	sshra.s32 @!p1 s9, $0x1F;
	p2 =	por !p2, p1  }
0x15: {  	s15 =	smulhi.u32 @!p1 $0x14F8B59, s12;
	s14 =	sand.u32 @!p1 s14, s9;
	s13 =	simm.s32 @p2 $0x30CC0  }
0x16: {  	s13 =	ssub.s32 @!p1 s13, s14  }
0x17: {  	s14 =	sshrl.u32 @!p1 s15, $0xA;
	s13 =	sadd.s32 @!p1 $0xFFFCF340, s13  }
0x18: {  	s15 =	sxor.u32 @!p1 $0xFFFFFFFF, s10;
	s14 =	smul.u32 @!p1 $0x30D40, s14;
	s16 =	sshll.u32 @!p1 s13, $0x8  }
0x19: {  	s15 =	sshll.u32 @!p1 s15, $0xD;
	p2 =	sgt.s32 @!p1 s13, $0x7F;
	s13 =	ssub.s32 @!p1 $0x8000, s16  }
0x1a: {  	s12 =	ssub.s32 @!p1 s12, s14;
	p2 =	por !p2, p1;
	s14 =	sand.u32 @!p1 $0x2000, s15  }
0x1b: {  	s15 =	simm.s32 @!p1 $0x40;
	s13 =	sshrl.u32 @!p1 s13, $0x2;
	s12 =	sshll.u32 @!p1 s12, $0x4  }
0x1c: {  	s16 =	simm.s32 @!p1 $0x80;
	s13 =	simm.s32 @!p2 $0x0;
	s12 =	sadd.s32 @!p1 s4, s12  }
0x1d: {  	[tilespmem:s14], [sflag:$0x1] =	stream.strided.gather @!p1 [hbm4b:s12+s15], s13, s16, s15, $0x38;
	[tilespmem:$0x8080] =	vst v63  }
0x1e: {  	p1 =	seq.s32 s10, $0x0  }
0x1f: {  	p2 =	sge.u32 @!p1 s10, s7  }
0x20: {  	p1 =	por p1, p2  }
.Ltmp2:
0x21: {  	_ = 	snop;
	(pc) =	sbr.rel @p1 .LBB1_5-.Ltmp2, $1  }
0x22: {  	_ =	sdelay $0x3  }
0x23: {  	p1 =	sgt.s32 s11, $0x30CC0;
	s12 =	smov.u32 s11;
	s13 =	sshra.s32 s11, $0x1F  }
0x24: {  	s12 =	simm.s32 @!p1 $0x30CC0;
	s13 =	sand.u32 s13, s11  }
0x25: {  	s12 =	ssub.s32 s12, s13  }
0x26: {  	s12 =	sadd.s32 $0xFFFCF340, s12  }
0x27: {  	s28 =	sshll.u32 s12, $0x8  }
0x28: {  	s13 =	ssub.s32 $0x8000, s28  }
0x29: {  	p1 =	sgt.s32 s12, $0x7F;
	s12 =	sshrl.u32 s13, $0x2  }
0x2a: {  	s13 =	simm.s32 $0x1;
	s12 =	simm.s32 @p1 $0x0  }
0x2b: {  	s13 =	simm.s32 @!p0 $0x0;
	_ =	swait.ge [sflag:s5], s12  }
0x2c: {  	s14 =	sshll.u32 s13, $0xD;
	s12 =	ssub.s32 $0x0, s12;
	[sflag:s5] =	ssyncset.done $0x0  }
0x2d: {  	s16 =	sor.u32 $0x20, s14;
	[sflag:s5] =	ssyncadd.s32 s12  }
0x2e: {  	s29 =	smul.u32 $0x8100, s13;
	v3 =	vld [tilespmem:s16+$0x10]  }
0x2f: {  	s30 =	sand.u32 $0x1, s10;
	v2 =	vld [tilespmem:s16+$0xFFFFFFF0]  }
0x30: {  	s13 =	smul.u32 $0x8100, s30;
	s12 =	sshrl.u32 s29, $0x2;
	v0 =	vld [tilespmem:s16+$0x0]  }
0x31: {  	s14 =	sor.u32 $0x4000, s12;
	v1 =	vld [tilespmem:s16+$0xFFFFFFE0]  }
0x32: {  	s31 =	sshrl.u32 s13, $0x2;
	s13 =	sadd.s32 $0x0, s14  }
0x33: {  	s15 =	simm.s32 $0x4;
	s12 =	sor.u32 $0x4000, s31;
	s16 =	sadd.s32 $0x40, s16;
	[tilespmem:s13+$0x1830 ss:$0x81] =	vst.msk $0xffff, v3  }
.LBB1_3:
0x34: {  	v3 =	vld [tilespmem:s16+$0x10];
	p1 =	sne.s32 s15, $0x1FC;
	[tilespmem:s13+$0x810 ss:$0x81] =	vst.msk $0xffff, v2;
	s17 =	smov.u32 s15;
	s15 =	sadd.s32 $0x4, s15  }
.Ltmp3:
0x35: {  	v2 =	vld [tilespmem:s16+$0xFFFFFFF0];
	[tilespmem:s13+$0x1020 ss:$0x81] =	vst.msk $0xffff, v0;
	(pc) =	sbr.rel @p1 .LBB1_3-.Ltmp3, $4  }
0x36: {  	v0 =	vld [tilespmem:s16+$0x0];
	[tilespmem:s13+$0x0 ss:$0x81] =	vst.msk $0xffff, v1  }
0x37: {  	s13 =	sshra.s32 s17, $0x2;
	v1 =	vld [tilespmem:s16+$0xFFFFFFE0]  }
0x38: {  	s13 =	sadd.s32 s13, s14  }
0x39: {  	s16 =	sadd.s32 $0x40, s16;
	[tilespmem:s13+$0x1830 ss:$0x81] =	vst.msk $0xffff, v3  }
0x3a: {  	s14 =	sshll.u32 s11, $0x3  }
0x3b: {  	s14 =	sand.u32 $0xFFFFFC00, s14  }
0x3c: {  	s15 =	sshrl.u32 s14, $0x7  }
0x3d: {  	s15 =	smulhi.u32 $0xA7B7EF, s15;
	_ =	sdelay $0x1  }
0x3e: {  	s15 =	sshrl.u32 s15, $0x2  }
0x3f: {  	s28 =	sand.u32 $0x7F, s11;
	s16 =	smul.u32 $0x30D80, s15  }
0x40: {  	s11 =	sor.u32 s28, s14  }
.Ltmp4:
0x41: {  	s29 =	sand.u32 $0x3F, s15;
	s11 =	ssub.s32 s11, s16;
	(pc) =	sbr.rel .LBB1_5-.Ltmp4, $4  }
0x42: {  	[tilespmem:s13+$0x810 ss:$0x81] =	vst.msk $0xffff, v2;
	s14 =	smul.u32 $0x61B0, s29;
	s30 =	sshrl.u32 s11, $0x3;
	s11 =	sand.u32 $0x7, s11  }
0x43: {  	[tilespmem:s13+$0x1020 ss:$0x81] =	vst.msk $0xffff, v0;
	s15 =	sadd.s32 s2, s30;
	s11 =	sshll.u32 s11, $0x12  }
0x44: {  	[tilespmem:s13+$0x0 ss:$0x81] =	vst.msk $0xffff, v1;
	s31 =	sadd.s32 s14, s15;
	s11 =	sor.u32 $0x400, s11  }
0x45: {  	[hbm4b:s31+s11] =	stream.strided.scatter [tilespmem:s12], [sflag:$0x2], $0x2000, s8, s11, $0x20;
	[tilespmem:$0x8080] =	vst v63  }
.LBB1_6:
0x46: {  	_ =	sfence.sel $0x180000  }
0x47: {  	s2 =	simm.s32 $0x1;
	[bflag:$0x0] =	sbarrier.arrive $0xFFFF  }
0x48: {  	s31 =	simm.s32 $0x2;
	[sflag:s2] =	ssyncpa.u1 $0x1  }
0x49: {  	[sflag:s31] =	ssyncpa.u1 $0x1  }
0x4a: {  	p0 =	sne.s32 s1, $0x0;
	_ =	strace $0x90000047  }
0x4b: {  	s0 =	sadd.s32 @!p0 $0x100000, s0;
	[bflag:$0x2] =	sbarrier.arrive $0xFFFF  }
0x4c: {  	[sflag:s0] =	ssyncadd.tile.s32 @!p0 $0x1;
	_ =	shalt  }
.Lfunc_end1:
_tile_overlayer_lowered:
.L_overlay_start_2:
0x4d: {  	(tag) =	ssettag $0x2  }
0x4e: {  	s0 =	rddreg [dreg:$0x0];
	s2 =	stileid.u32  }
0x4f: {  	s1 =	rddreg [dreg:$0x1];
	p0 =	sne.s32 s2, $0x0  }
0x50: {  	s3 =	rddreg [dreg:$0x2];
	[bflag:$0x3] =	sbarrier.arrive $0xFFFF;
	s2 =	simm.s32 @!p0 $0x1C01  }
0x51: {  	[timem:s3], [sflag:s2] =	dma.local @!p0 [hbm:s0], s1  }
0x52: {  	s0 =	simm.s32 @!p0 $0x1  }
0x53: {  	_ =	swait.ge @!p0 [sflag:s0], s1  }
0x54: {  	s1 =	ssub.s32 @!p0 $0x0, s1;
	[sflag:s0] =	ssyncset.done @!p0 $0x0  }
0x55: {  	[sflag:s0] =	ssyncadd.s32 @!p0 s1  }
0x56: {  	[bflag:$0x3] =	sbarrier.arrive $0xFFFF  }
0x57: {  	_ =	shalt  }

</sc_bundles>
